<compile_context>
chip_gen: v7x
topology: tpu7x:2x2x1
jax: 0.10.2.dev20260603
libtpu: 0.0.44.dev20260713+nightly
codegen_flags: <defaults>
</compile_context>

<pallas_src>
import functools

import jax
import jax.numpy as jnp
from jax import lax
from jax.experimental import pallas as pl
from jax.experimental.pallas import tpu as pltpu
from jax.experimental.pallas import tpu_sc as plsc

VOCAB = 32000
EMB = 384
HID = 512
G4 = 4 * HID
LAYERS = 3
B = 16
T = 128
BT = B * T

_NC, _NS = 2, 16
_NW = _NC * _NS
_BPW = BT // _NW


def _gather_body(table_hbm, idx_hbm, out_hbm, idx_v, rows_v, sem):
    wid = lax.axis_index("s") * _NC + lax.axis_index("c")
    base = wid * _BPW
    pltpu.sync_copy(idx_hbm.at[pl.ds(base, _BPW)], idx_v)
    pltpu.async_copy(table_hbm.at[idx_v], rows_v, sem).wait()
    pltpu.sync_copy(rows_v, out_hbm.at[pl.ds(base, _BPW)])


def _sc_gather(table, idx):
    mesh = plsc.VectorSubcoreMesh(core_axis_name="c", subcore_axis_name="s")
    k = functools.partial(
        pl.kernel,
        mesh=mesh,
        out_type=jax.ShapeDtypeStruct((BT, EMB), jnp.float32),
        scratch_types=[
            pltpu.VMEM((_BPW,), jnp.int32),
            pltpu.VMEM((_BPW, EMB), jnp.float32),
            pltpu.SemaphoreType.DMA,
        ],
    )(_gather_body)
    return k(table, idx)


_DN = (((1,), (1,)), ((), ()))
_DNT = (((1,), (0,)), ((), ()))


def _lstm_body(xs_ref, h0_ref, c0_ref,
               wi0, wh0, bb0, wi1, wh1, bb1, wi2, wh2, bb2,
               lng, lnb, out_ref, ht_ref, ct_ref, seq_ref, proj_ref):
    bf = jnp.bfloat16
    gscale = jnp.concatenate(
        [jnp.full((1, 2 * HID), 0.5, jnp.float32),
         jnp.full((1, HID), 1.0, jnp.float32),
         jnp.full((1, HID), 0.5, jnp.float32)], axis=1)

    def gates(g, c):
        z = jnp.tanh(g * gscale)
        i = 0.5 + 0.5 * z[:, 0:HID]
        f = 0.5 + 0.5 * z[:, HID:2 * HID]
        gg = z[:, 2 * HID:3 * HID]
        o = 0.5 + 0.5 * z[:, 3 * HID:4 * HID]
        c2 = f * c + i * gg
        return o * jnp.tanh(c2), c2

    for l, (wi, wh, bb) in enumerate(((wi0, wh0, bb0),
                                      (wi1, wh1, bb1),
                                      (wi2, wh2, bb2))):
        src = xs_ref if l == 0 else seq_ref
        proj_ref[...] = lax.dot_general(
            src[...].astype(bf), wi[...], _DN,
            preferred_element_type=jnp.float32) + bb[...]
        wh_v = wh[...]

        def step(t, carry, wh_v=wh_v):
            h, c = carry
            g = proj_ref[pl.ds(t * B, B), :] + lax.dot_general(
                h.astype(bf), wh_v, _DNT,
                preferred_element_type=jnp.float32)
            h2, c2 = gates(g, c)
            seq_ref[pl.ds(t * B, B), :] = h2
            return h2, c2

        h_n, c_n = lax.fori_loop(0, T, step, (h0_ref[l], c0_ref[l]))
        ht_ref[l] = h_n
        ct_ref[l] = c_n

    y = seq_ref[...]
    mu = jnp.mean(y, axis=1, keepdims=True)
    var = jnp.mean((y - mu) ** 2, axis=1, keepdims=True)
    out_ref[...] = (y - mu) * lax.rsqrt(var + 1e-5) * lng[...] + lnb[...]


def _lstm_call(xs, h0, c0, wi0, wh0, bb0, wi1, wh1, bb1, wi2, wh2, bb2,
               lng, lnb):
    return pl.pallas_call(
        _lstm_body,
        out_shape=(
            jax.ShapeDtypeStruct((BT, HID), jnp.float32),
            jax.ShapeDtypeStruct((LAYERS, B, HID), jnp.float32),
            jax.ShapeDtypeStruct((LAYERS, B, HID), jnp.float32),
        ),
        scratch_shapes=[
            pltpu.VMEM((BT, HID), jnp.float32),
            pltpu.VMEM((BT, G4), jnp.float32),
        ],
    )(xs, h0, c0, wi0, wh0, bb0, wi1, wh1, bb1, wi2, wh2, bb2, lng, lnb)


_VB = 1280


def _fc_body(x_ref, w_ref, b_ref, o_ref):
    o_ref[...] = lax.dot_general(
        x_ref[...].astype(jnp.bfloat16), w_ref[...].astype(jnp.bfloat16),
        _DN, preferred_element_type=jnp.float32) + b_ref[...]


def _fc_call(xb, fc_w, fc_b):
    return pl.pallas_call(
        _fc_body,
        grid=(VOCAB // _VB,),
        in_specs=[
            pl.BlockSpec((BT, HID), lambda i: (0, 0)),
            pl.BlockSpec((_VB, HID), lambda i: (i, 0)),
            pl.BlockSpec((1, _VB), lambda i: (0, i)),
        ],
        out_specs=pl.BlockSpec((BT, _VB), lambda i: (0, i)),
        out_shape=jax.ShapeDtypeStruct((BT, VOCAB), jnp.float32),
    )(xb, fc_w, fc_b)


def kernel(x, h0, c0, emb, W_ih_0, W_hh_0, b_ih_0, b_hh_0,
           W_ih_1, W_hh_1, b_ih_1, b_hh_1, W_ih_2, W_hh_2, b_ih_2, b_hh_2,
           ln_g, ln_b, fc_W, fc_b):
    idx = x.T.reshape(BT).astype(jnp.int32)
    gath = _sc_gather(emb, idx)

    bb0 = (b_ih_0 + b_hh_0).reshape(1, G4)
    bb1 = (b_ih_1 + b_hh_1).reshape(1, G4)
    bb2 = (b_ih_2 + b_hh_2).reshape(1, G4)
    bf = jnp.bfloat16
    out_norm, h_t, c_t = _lstm_call(
        gath, h0, c0,
        W_ih_0.astype(bf), W_hh_0.T.astype(bf), bb0,
        W_ih_1.astype(bf), W_hh_1.T.astype(bf), bb1,
        W_ih_2.astype(bf), W_hh_2.T.astype(bf), bb2,
        ln_g.reshape(1, HID), ln_b.reshape(1, HID))

    xb = out_norm.reshape(T, B, HID).transpose(1, 0, 2).reshape(BT, HID)
    logits = _fc_call(xb, fc_W, fc_b.reshape(1, VOCAB))
    return logits.reshape(B, T, VOCAB), h_t, c_t

# --- scband reference (transcript-rebuilt; emitter-appended) ---
"""Pipeline reference for scband-subword-lstm-53747220742311 (READ-ONLY COPY).

The authoritative reference and input builder live on the scoring server;
editing this copy changes nothing except your own understanding.
"""

import jax, jax.numpy as jnp
import numpy as np

VOCAB = 32000
EMB = 384
HID = 512
LAYERS = 3
B = 16
T = 128


def setup_inputs(seed: int = 0):
    key = jax.random.key(seed)
    ks = jax.random.split(key, 32)
    inp = {}
    inp['x'] = jax.random.randint(ks[0], (B, T), 0, VOCAB)
    inp['h0'] = jax.random.normal(ks[1], (LAYERS, B, HID), jnp.float32)
    inp['c0'] = jax.random.normal(ks[2], (LAYERS, B, HID), jnp.float32)
    inp['emb'] = jax.random.normal(ks[3], (VOCAB, EMB), jnp.float32) * 0.02
    s = 1.0 / np.sqrt(HID)
    for l in range(LAYERS):
        d_in = EMB if l == 0 else HID
        inp['W_ih_%d' % l] = jax.random.uniform(ks[4 + 4 * l], (4 * HID, d_in), jnp.float32, -s, s)
        inp['W_hh_%d' % l] = jax.random.uniform(ks[5 + 4 * l], (4 * HID, HID), jnp.float32, -s, s)
        inp['b_ih_%d' % l] = jax.random.uniform(ks[6 + 4 * l], (4 * HID,), jnp.float32, -s, s)
        inp['b_hh_%d' % l] = jax.random.uniform(ks[7 + 4 * l], (4 * HID,), jnp.float32, -s, s)
    inp['ln_g'] = jnp.ones((HID,), jnp.float32)
    inp['ln_b'] = jnp.zeros((HID,), jnp.float32)
    sf = 1.0 / np.sqrt(HID)
    inp['fc_W'] = jax.random.uniform(ks[20], (VOCAB, HID), jnp.float32, -sf, sf)
    inp['fc_b'] = jax.random.uniform(ks[21], (VOCAB,), jnp.float32, -sf, sf)
    return inp


def _lstm_layer(xs, h0, c0, W_ih, W_hh, b_ih, b_hh):
    def step(carry, x_t):
        h, c = carry
        g = x_t @ W_ih.T + h @ W_hh.T + b_ih + b_hh
        i, f, gg, o = jnp.split(g, 4, axis=-1)
        i = jax.nn.sigmoid(i)
        f = jax.nn.sigmoid(f)
        gg = jnp.tanh(gg)
        o = jax.nn.sigmoid(o)
        c = f * c + i * gg
        h = o * jnp.tanh(c)
        return (h, c), h
    (hT, cT), ys = jax.lax.scan(step, (h0, c0), jnp.swapaxes(xs, 0, 1))
    return jnp.swapaxes(ys, 0, 1), hT, cT


def reference(x, h0, c0, emb, W_ih_0, W_hh_0, b_ih_0, b_hh_0, W_ih_1, W_hh_1, b_ih_1, b_hh_1, W_ih_2, W_hh_2, b_ih_2, b_hh_2, ln_g, ln_b, fc_W, fc_b):
    # embedding lookup; dropout is identity in eval mode
    out = jnp.take(emb, x, axis=0)
    params = [
        (W_ih_0, W_hh_0, b_ih_0, b_hh_0),
        (W_ih_1, W_hh_1, b_ih_1, b_hh_1),
        (W_ih_2, W_hh_2, b_ih_2, b_hh_2),
    ]
    hs = []
    cs = []
    for l, (Wi, Wh, bi, bh) in enumerate(params):
        out, hT, cT = _lstm_layer(out, h0[l], c0[l], Wi, Wh, bi, bh)
        hs.append(hT)
        cs.append(cT)
    mu = out.mean(-1, keepdims=True)
    var = ((out - mu) ** 2).mean(-1, keepdims=True)
    out = (out - mu) / jnp.sqrt(var + 1e-5) * ln_g + ln_b
    logits = out @ fc_W.T + fc_b
    return logits, jnp.stack(hs), jnp.stack(cs)

if __name__ == "__main__":
    import jax
    _d = setup_inputs()
    print(jax.jit(kernel)(*tuple(_d.values())))

</pallas_src>

<mosaic_0001>
#map = affine_map<(d0, d1) -> (0, 0)>
#map1 = affine_map<(d0, d1) -> (0)>
module attributes {stable_mosaic.version = 14 : i64} {
  func.func @_gather_body(%arg0: i32, %arg1: i32, %arg2: memref<32000x384xf32, #tpu.memory_space<hbm>>, %arg3: memref<2048xi32, #tpu.memory_space<hbm>>, %arg4: memref<2048x384xf32, #tpu.memory_space<hbm>>, %arg5: memref<64xi32, #tpu.memory_space<vmem>>, %arg6: memref<64x384xf32, #tpu.memory_space<vmem>>, %arg7: memref<!tpu.dma_semaphore, #tpu.memory_space<semaphore_mem>>) attributes {dimension_semantics = [#tpu.dimension_semantics<core_parallel>, #tpu.dimension_semantics<subcore_parallel>], iteration_bounds = array<i64: 2, 16>, scalar_prefetch = 0 : i64, scratch_operands = 3 : i64, tpu.core_type = #tpu.core_type<sc_vector_subcore>, window_params = [{transform_indices = #map}, {transform_indices = #map1}, {transform_indices = #map}]} {
    %mul3A = arith.constant 2 : i32
    %mul3A_0 = arith.muli %arg1, %mul3A : i32
    %add3A = arith.addi %mul3A_0, %arg0 : i32
    %mul3A_1 = arith.constant 64 : i32
    %mul3A_2 = arith.muli %add3A, %mul3A_1 : i32
    "tpu.region"() ({
      %run_scoped3A = tpu.sem_alloc : memref<!tpu.dma_semaphore, #tpu.memory_space<semaphore_mem>>
      %dma_start3A_7 = tpu.memref_slice %arg3[%mul3A_2] : memref<2048xi32, #tpu.memory_space<hbm>> -> memref<64xi32, #tpu.memory_space<hbm>>
      %dma_start3A_8 = tpu.memref_slice %arg3[%mul3A_2] : memref<2048xi32, #tpu.memory_space<hbm>> -> memref<64xi32, #tpu.memory_space<hbm>>
      tpu.enqueue_dma source(%dma_start3A_8 : memref<64xi32, #tpu.memory_space<hbm>>) target(%arg5 : memref<64xi32, #tpu.memory_space<vmem>>) target_semaphore(%run_scoped3A : memref<!tpu.dma_semaphore, #tpu.memory_space<semaphore_mem>>)
      %dma_wait3A_9 = tpu.memref_slice %arg3[%mul3A_2] : memref<2048xi32, #tpu.memory_space<hbm>> -> memref<64xi32, #tpu.memory_space<hbm>>
      %dma_wait3A_10 = tpu.memref_slice %arg3[%mul3A_2] : memref<2048xi32, #tpu.memory_space<hbm>> -> memref<64xi32, #tpu.memory_space<hbm>>
      tpu.wait_dma2 semaphore(%run_scoped3A : memref<!tpu.dma_semaphore, #tpu.memory_space<semaphore_mem>>) src(%dma_wait3A_10 : memref<64xi32, #tpu.memory_space<hbm>>) dst(%arg5 : memref<64xi32, #tpu.memory_space<vmem>>)
      tpu.yield
    }) : () -> ()
    %dma_start3A = arith.constant 0 : i32
    %dma_start3A_3 = arith.constant 0 : i32
    %dma_start3A_4 = tpu.memref_slice %arg2[%dma_start3A, %dma_start3A_3] : memref<32000x384xf32, #tpu.memory_space<hbm>> -> memref<32000x384xf32, #tpu.memory_space<hbm>>
    tpu.enqueue_indirect_dma source(%dma_start3A_4 : memref<32000x384xf32, #tpu.memory_space<hbm>>) target(%arg6 : memref<64x384xf32, #tpu.memory_space<vmem>>) offsets(%arg5 : memref<64xi32, #tpu.memory_space<vmem>>) semaphore(%arg7 : memref<!tpu.dma_semaphore, #tpu.memory_space<semaphore_mem>>)
    %dma_wait3A = arith.constant 0 : i32
    %dma_wait3A_5 = arith.constant 0 : i32
    %dma_wait3A_6 = tpu.memref_slice %arg2[%dma_wait3A, %dma_wait3A_5] : memref<32000x384xf32, #tpu.memory_space<hbm>> -> memref<32000x384xf32, #tpu.memory_space<hbm>>
    tpu.wait_indirect_dma semaphore(%arg7 : memref<!tpu.dma_semaphore, #tpu.memory_space<semaphore_mem>>) src(%dma_wait3A_6 : memref<32000x384xf32, #tpu.memory_space<hbm>>) dst(%arg6 : memref<64x384xf32, #tpu.memory_space<vmem>>)
    "tpu.region"() ({
      %run_scoped3A = tpu.sem_alloc : memref<!tpu.dma_semaphore, #tpu.memory_space<semaphore_mem>>
      %dma_start3A_7 = arith.constant 0 : i32
      %dma_start3A_8 = tpu.memref_slice %arg4[%mul3A_2, %dma_start3A_7] : memref<2048x384xf32, #tpu.memory_space<hbm>> -> memref<64x384xf32, #tpu.memory_space<hbm>>
      %dma_start3A_9 = arith.constant 0 : i32
      %dma_start3A_10 = tpu.memref_slice %arg4[%mul3A_2, %dma_start3A_9] : memref<2048x384xf32, #tpu.memory_space<hbm>> -> memref<64x384xf32, #tpu.memory_space<hbm>>
      tpu.enqueue_dma source(%arg6 : memref<64x384xf32, #tpu.memory_space<vmem>>) target(%dma_start3A_10 : memref<64x384xf32, #tpu.memory_space<hbm>>) target_semaphore(%run_scoped3A : memref<!tpu.dma_semaphore, #tpu.memory_space<semaphore_mem>>)
      %dma_wait3A_11 = arith.constant 0 : i32
      %dma_wait3A_12 = tpu.memref_slice %arg4[%mul3A_2, %dma_wait3A_11] : memref<2048x384xf32, #tpu.memory_space<hbm>> -> memref<64x384xf32, #tpu.memory_space<hbm>>
      %dma_wait3A_13 = arith.constant 0 : i32
      %dma_wait3A_14 = tpu.memref_slice %arg4[%mul3A_2, %dma_wait3A_13] : memref<2048x384xf32, #tpu.memory_space<hbm>> -> memref<64x384xf32, #tpu.memory_space<hbm>>
      tpu.wait_dma2 semaphore(%run_scoped3A : memref<!tpu.dma_semaphore, #tpu.memory_space<semaphore_mem>>) src(%arg6 : memref<64x384xf32, #tpu.memory_space<vmem>>) dst(%dma_wait3A_14 : memref<64x384xf32, #tpu.memory_space<hbm>>)
      tpu.yield
    }) : () -> ()
    return
  }
}

module attributes {stable_mosaic.version = 14 : i64} {
  func.func @_lstm_body(%arg0: memref<2048x384xf32, #tpu.memory_space<vmem>>, %arg1: memref<3x16x512xf32, #tpu.memory_space<vmem>>, %arg2: memref<3x16x512xf32, #tpu.memory_space<vmem>>, %arg3: memref<2048x384xbf16, #tpu.memory_space<vmem>>, %arg4: memref<512x2048xbf16, #tpu.memory_space<vmem>>, %arg5: memref<1x2048xf32, #tpu.memory_space<vmem>>, %arg6: memref<2048x512xbf16, #tpu.memory_space<vmem>>, %arg7: memref<512x2048xbf16, #tpu.memory_space<vmem>>, %arg8: memref<1x2048xf32, #tpu.memory_space<vmem>>, %arg9: memref<2048x512xbf16, #tpu.memory_space<vmem>>, %arg10: memref<512x2048xbf16, #tpu.memory_space<vmem>>, %arg11: memref<1x2048xf32, #tpu.memory_space<vmem>>, %arg12: memref<1x512xf32, #tpu.memory_space<vmem>>, %arg13: memref<1x512xf32, #tpu.memory_space<vmem>>, %arg14: memref<2048x512xf32, #tpu.memory_space<vmem>>, %arg15: memref<3x16x512xf32, #tpu.memory_space<vmem>>, %arg16: memref<3x16x512xf32, #tpu.memory_space<vmem>>, %arg17: memref<2048x512xf32, #tpu.memory_space<vmem>>, %arg18: memref<2048x2048xf32, #tpu.memory_space<vmem>>) attributes {dimension_semantics = [], scalar_prefetch = 0 : i64, scratch_operands = 2 : i64, tpu.core_type = #tpu.core_type<tc>} {
    %broadcast_in_dim3A = arith.constant 5.000000e-01 : f32
    %broadcast_in_dim3A_0 = vector.broadcast %broadcast_in_dim3A : f32 to vector<1x1024xf32>
    %broadcast_in_dim3A_1 = arith.constant 1.000000e+00 : f32
    %broadcast_in_dim3A_2 = vector.broadcast %broadcast_in_dim3A_1 : f32 to vector<1x512xf32>
    %broadcast_in_dim3A_3 = arith.constant 5.000000e-01 : f32
    %broadcast_in_dim3A_4 = vector.broadcast %broadcast_in_dim3A_3 : f32 to vector<1x512xf32>
    %concatenate3A = tpu.concatenate %broadcast_in_dim3A_0, %broadcast_in_dim3A_2, %broadcast_in_dim3A_4 in 1 : vector<1x1024xf32>, vector<1x512xf32>, vector<1x512xf32> -> vector<1x2048xf32>
    %get3A = arith.constant 0 : index
    %get3A_5 = arith.constant 0 : index
    %get3A_6 = vector.load %arg0[%get3A, %get3A_5] : memref<2048x384xf32, #tpu.memory_space<vmem>>, vector<2048x384xf32>
    %convert_element_type3A = arith.truncf %get3A_6 : vector<2048x384xf32> to vector<2048x384xbf16>
    %get3A_7 = arith.constant 0 : index
    %get3A_8 = arith.constant 0 : index
    %get3A_9 = vector.load %arg3[%get3A_7, %get3A_8] : memref<2048x384xbf16, #tpu.memory_space<vmem>>, vector<2048x384xbf16>
    %dot_general3A = arith.constant dense<0.000000e+00> : vector<2048x2048xf32>
    %dot_general3A_10 = tpu.matmul %convert_element_type3A, %get3A_9, %dot_general3A {dimension_numbers = #tpu.dot_dimension_numbers<[1], [1], [0], [0], [0, 0, 1, 0], [], []>, transpose_lhs_hint = false} : vector<2048x384xbf16>, vector<2048x384xbf16>, vector<2048x2048xf32> -> vector<2048x2048xf32>
    %get3A_11 = arith.constant 0 : index
    %get3A_12 = arith.constant 0 : index
    %get3A_13 = vector.load %arg5[%get3A_11, %get3A_12] : memref<1x2048xf32, #tpu.memory_space<vmem>>, vector<1x2048xf32>
    %add3A = vector.broadcast %get3A_13 : vector<1x2048xf32> to vector<2048x2048xf32>
    %add3A_14 = arith.addf %dot_general3A_10, %add3A : vector<2048x2048xf32>
    %swap3A = arith.constant 0 : index
    %swap3A_15 = arith.constant 0 : index
    %swap3A_16 = vector.load %arg18[%swap3A, %swap3A_15] : memref<2048x2048xf32, #tpu.memory_space<vmem>>, vector<2048x2048xf32>
    tpu.vector_store %arg18[%swap3A, %swap3A_15], %add3A_14 {strides = array<i32>} : memref<2048x2048xf32, #tpu.memory_space<vmem>>, vector<2048x2048xf32>,
    %get3A_17 = arith.constant 0 : index
    %get3A_18 = arith.constant 0 : index
    %get3A_19 = vector.load %arg4[%get3A_17, %get3A_18] : memref<512x2048xbf16, #tpu.memory_space<vmem>>, vector<512x2048xbf16>
    %get3A_20 = arith.constant 0 : index
    %get3A_21 = arith.constant 0 : index
    %get3A_22 = arith.constant 0 : index
    %get3A_23 = vector.load %arg1[%get3A_20, %get3A_21, %get3A_22] : memref<3x16x512xf32, #tpu.memory_space<vmem>>, vector<1x16x512xf32>
    %get3A_24 = vector.shape_cast %get3A_23 : vector<1x16x512xf32> to vector<16x512xf32>
    %get3A_25 = arith.constant 0 : index
    %get3A_26 = arith.constant 0 : index
    %get3A_27 = arith.constant 0 : index
    %get3A_28 = vector.load %arg2[%get3A_25, %get3A_26, %get3A_27] : memref<3x16x512xf32, #tpu.memory_space<vmem>>, vector<1x16x512xf32>
    %get3A_29 = vector.shape_cast %get3A_28 : vector<1x16x512xf32> to vector<16x512xf32>
    %scan3A = arith.constant 0 : i32
    %scan3A_30 = arith.constant 128 : i32
    %scan3A_31 = arith.addi %scan3A, %scan3A_30 : i32
    %scan3A_32 = arith.constant 1 : i32
    %scan3A_33:2 = scf.for %scan3A_176 = %scan3A to %scan3A_31 step %scan3A_32 iter_args(%scan3A_177 = %get3A_24, %scan3A_178 = %get3A_29) -> (vector<16x512xf32>, vector<16x512xf32>)  : i32 {
      %mul3A_179 = arith.constant 16 : i32
      %mul3A_180 = arith.muli %scan3A_176, %mul3A_179 : i32
      %get3A_181 = arith.index_cast %mul3A_180 : i32 to index
      %get3A_182 = arith.constant 0 : index
      %get3A_183 = vector.load %arg18[%get3A_181, %get3A_182] : memref<2048x2048xf32, #tpu.memory_space<vmem>>, vector<16x2048xf32>
      %convert_element_type3A_184 = arith.truncf %scan3A_177 : vector<16x512xf32> to vector<16x512xbf16>
      %dot_general3A_185 = arith.constant dense<0.000000e+00> : vector<16x2048xf32>
      %dot_general3A_186 = tpu.matmul %convert_element_type3A_184, %get3A_19, %dot_general3A_185 {dimension_numbers = #tpu.dot_dimension_numbers<[1], [0], [0], [1], [0, 0, 1, 1], [], []>, transpose_lhs_hint = false} : vector<16x512xbf16>, vector<512x2048xbf16>, vector<16x2048xf32> -> vector<16x2048xf32>
      %add3A_187 = arith.addf %get3A_183, %dot_general3A_186 : vector<16x2048xf32>
      %mul3A_188 = vector.broadcast %concatenate3A : vector<1x2048xf32> to vector<16x2048xf32>
      %mul3A_189 = arith.mulf %add3A_187, %mul3A_188 : vector<16x2048xf32>
      %tanh3A = math.tanh %mul3A_189 : vector<16x2048xf32>
      %slice3A = vector.extract_strided_slice %tanh3A {offsets = [0, 0], sizes = [16, 512], strides = [1, 1]} : vector<16x2048xf32> to vector<16x512xf32>
      %mul3A_190 = arith.constant 5.000000e-01 : f32
      %mul3A_191 = vector.broadcast %mul3A_190 : f32 to vector<16x512xf32>
      %mul3A_192 = arith.mulf %mul3A_191, %slice3A : vector<16x512xf32>
      %add3A_193 = arith.constant 5.000000e-01 : f32
      %add3A_194 = vector.broadcast %add3A_193 : f32 to vector<16x512xf32>
      %add3A_195 = arith.addf %add3A_194, %mul3A_192 : vector<16x512xf32>
      %slice3A_196 = vector.extract_strided_slice %tanh3A {offsets = [0, 512], sizes = [16, 512], strides = [1, 1]} : vector<16x2048xf32> to vector<16x512xf32>
      %mul3A_197 = arith.constant 5.000000e-01 : f32
      %mul3A_198 = vector.broadcast %mul3A_197 : f32 to vector<16x512xf32>
      %mul3A_199 = arith.mulf %mul3A_198, %slice3A_196 : vector<16x512xf32>
      %add3A_200 = arith.constant 5.000000e-01 : f32
      %add3A_201 = vector.broadcast %add3A_200 : f32 to vector<16x512xf32>
      %add3A_202 = arith.addf %add3A_201, %mul3A_199 : vector<16x512xf32>
      %slice3A_203 = vector.extract_strided_slice %tanh3A {offsets = [0, 1024], sizes = [16, 512], strides = [1, 1]} : vector<16x2048xf32> to vector<16x512xf32>
      %slice3A_204 = vector.extract_strided_slice %tanh3A {offsets = [0, 1536], sizes = [16, 512], strides = [1, 1]} : vector<16x2048xf32> to vector<16x512xf32>
      %mul3A_205 = arith.constant 5.000000e-01 : f32
      %mul3A_206 = vector.broadcast %mul3A_205 : f32 to vector<16x512xf32>
      %mul3A_207 = arith.mulf %mul3A_206, %slice3A_204 : vector<16x512xf32>
      %add3A_208 = arith.constant 5.000000e-01 : f32
      %add3A_209 = vector.broadcast %add3A_208 : f32 to vector<16x512xf32>
      %add3A_210 = arith.addf %add3A_209, %mul3A_207 : vector<16x512xf32>
      %mul3A_211 = arith.mulf %add3A_202, %scan3A_178 : vector<16x512xf32>
      %mul3A_212 = arith.mulf %add3A_195, %slice3A_203 : vector<16x512xf32>
      %add3A_213 = arith.addf %mul3A_211, %mul3A_212 : vector<16x512xf32>
      %tanh3A_214 = math.tanh %add3A_213 : vector<16x512xf32>
      %mul3A_215 = arith.mulf %add3A_210, %tanh3A_214 : vector<16x512xf32>
      %mul3A_216 = arith.constant 16 : i32
      %mul3A_217 = arith.muli %scan3A_176, %mul3A_216 : i32
      %swap3A_218 = arith.index_cast %mul3A_217 : i32 to index
      %swap3A_219 = arith.constant 0 : index
      %swap3A_220 = vector.load %arg17[%swap3A_218, %swap3A_219] : memref<2048x512xf32, #tpu.memory_space<vmem>>, vector<16x512xf32>
      tpu.vector_store %arg17[%swap3A_218, %swap3A_219], %mul3A_215 {strides = array<i32>} : memref<2048x512xf32, #tpu.memory_space<vmem>>, vector<16x512xf32>,
      scf.yield %mul3A_215, %add3A_213 : vector<16x512xf32>, vector<16x512xf32>
    }
    %scan3A_34 = arith.constant 128 : i32
    %swap3A_35 = arith.constant 0 : index
    %swap3A_36 = arith.constant 0 : index
    %swap3A_37 = arith.constant 0 : index
    %swap3A_38 = vector.load %arg15[%swap3A_35, %swap3A_36, %swap3A_37] : memref<3x16x512xf32, #tpu.memory_space<vmem>>, vector<1x16x512xf32>
    %swap3A_39 = vector.shape_cast %swap3A_38 : vector<1x16x512xf32> to vector<16x512xf32>
    %swap3A_40 = vector.shape_cast %scan3A_33#0 : vector<16x512xf32> to vector<1x16x512xf32>
    tpu.vector_store %arg15[%swap3A_35, %swap3A_36, %swap3A_37], %swap3A_40 {strides = array<i32>} : memref<3x16x512xf32, #tpu.memory_space<vmem>>, vector<1x16x512xf32>,
    %swap3A_41 = arith.constant 0 : index
    %swap3A_42 = arith.constant 0 : index
    %swap3A_43 = arith.constant 0 : index
    %swap3A_44 = vector.load %arg16[%swap3A_41, %swap3A_42, %swap3A_43] : memref<3x16x512xf32, #tpu.memory_space<vmem>>, vector<1x16x512xf32>
    %swap3A_45 = vector.shape_cast %swap3A_44 : vector<1x16x512xf32> to vector<16x512xf32>
    %swap3A_46 = vector.shape_cast %scan3A_33#1 : vector<16x512xf32> to vector<1x16x512xf32>
    tpu.vector_store %arg16[%swap3A_41, %swap3A_42, %swap3A_43], %swap3A_46 {strides = array<i32>} : memref<3x16x512xf32, #tpu.memory_space<vmem>>, vector<1x16x512xf32>,
    %get3A_47 = arith.constant 0 : index
    %get3A_48 = arith.constant 0 : index
    %get3A_49 = vector.load %arg17[%get3A_47, %get3A_48] : memref<2048x512xf32, #tpu.memory_space<vmem>>, vector<2048x512xf32>
    %convert_element_type3A_50 = arith.truncf %get3A_49 : vector<2048x512xf32> to vector<2048x512xbf16>
    %get3A_51 = arith.constant 0 : index
    %get3A_52 = arith.constant 0 : index
    %get3A_53 = vector.load %arg6[%get3A_51, %get3A_52] : memref<2048x512xbf16, #tpu.memory_space<vmem>>, vector<2048x512xbf16>
    %dot_general3A_54 = arith.constant dense<0.000000e+00> : vector<2048x2048xf32>
    %dot_general3A_55 = tpu.matmul %convert_element_type3A_50, %get3A_53, %dot_general3A_54 {dimension_numbers = #tpu.dot_dimension_numbers<[1], [1], [0], [0], [0, 0, 1, 0], [], []>, transpose_lhs_hint = false} : vector<2048x512xbf16>, vector<2048x512xbf16>, vector<2048x2048xf32> -> vector<2048x2048xf32>
    %get3A_56 = arith.constant 0 : index
    %get3A_57 = arith.constant 0 : index
    %get3A_58 = vector.load %arg8[%get3A_56, %get3A_57] : memref<1x2048xf32, #tpu.memory_space<vmem>>, vector<1x2048xf32>
    %add3A_59 = vector.broadcast %get3A_58 : vector<1x2048xf32> to vector<2048x2048xf32>
    %add3A_60 = arith.addf %dot_general3A_55, %add3A_59 : vector<2048x2048xf32>
    %swap3A_61 = arith.constant 0 : index
    %swap3A_62 = arith.constant 0 : index
    %swap3A_63 = vector.load %arg18[%swap3A_61, %swap3A_62] : memref<2048x2048xf32, #tpu.memory_space<vmem>>, vector<2048x2048xf32>
    tpu.vector_store %arg18[%swap3A_61, %swap3A_62], %add3A_60 {strides = array<i32>} : memref<2048x2048xf32, #tpu.memory_space<vmem>>, vector<2048x2048xf32>,
    %get3A_64 = arith.constant 0 : index
    %get3A_65 = arith.constant 0 : index
    %get3A_66 = vector.load %arg7[%get3A_64, %get3A_65] : memref<512x2048xbf16, #tpu.memory_space<vmem>>, vector<512x2048xbf16>
    %get3A_67 = arith.constant 1 : index
    %get3A_68 = arith.constant 0 : index
    %get3A_69 = arith.constant 0 : index
    %get3A_70 = vector.load %arg1[%get3A_67, %get3A_68, %get3A_69] : memref<3x16x512xf32, #tpu.memory_space<vmem>>, vector<1x16x512xf32>
    %get3A_71 = vector.shape_cast %get3A_70 : vector<1x16x512xf32> to vector<16x512xf32>
    %get3A_72 = arith.constant 1 : index
    %get3A_73 = arith.constant 0 : index
    %get3A_74 = arith.constant 0 : index
    %get3A_75 = vector.load %arg2[%get3A_72, %get3A_73, %get3A_74] : memref<3x16x512xf32, #tpu.memory_space<vmem>>, vector<1x16x512xf32>
    %get3A_76 = vector.shape_cast %get3A_75 : vector<1x16x512xf32> to vector<16x512xf32>
    %scan3A_77 = arith.constant 0 : i32
    %scan3A_78 = arith.constant 128 : i32
    %scan3A_79 = arith.addi %scan3A_77, %scan3A_78 : i32
    %scan3A_80 = arith.constant 1 : i32
    %scan3A_81:2 = scf.for %scan3A_176 = %scan3A_77 to %scan3A_79 step %scan3A_80 iter_args(%scan3A_177 = %get3A_71, %scan3A_178 = %get3A_76) -> (vector<16x512xf32>, vector<16x512xf32>)  : i32 {
      %mul3A_179 = arith.constant 16 : i32
      %mul3A_180 = arith.muli %scan3A_176, %mul3A_179 : i32
      %get3A_181 = arith.index_cast %mul3A_180 : i32 to index
      %get3A_182 = arith.constant 0 : index
      %get3A_183 = vector.load %arg18[%get3A_181, %get3A_182] : memref<2048x2048xf32, #tpu.memory_space<vmem>>, vector<16x2048xf32>
      %convert_element_type3A_184 = arith.truncf %scan3A_177 : vector<16x512xf32> to vector<16x512xbf16>
      %dot_general3A_185 = arith.constant dense<0.000000e+00> : vector<16x2048xf32>
      %dot_general3A_186 = tpu.matmul %convert_element_type3A_184, %get3A_66, %dot_general3A_185 {dimension_numbers = #tpu.dot_dimension_numbers<[1], [0], [0], [1], [0, 0, 1, 1], [], []>, transpose_lhs_hint = false} : vector<16x512xbf16>, vector<512x2048xbf16>, vector<16x2048xf32> -> vector<16x2048xf32>
      %add3A_187 = arith.addf %get3A_183, %dot_general3A_186 : vector<16x2048xf32>
      %mul3A_188 = vector.broadcast %concatenate3A : vector<1x2048xf32> to vector<16x2048xf32>
      %mul3A_189 = arith.mulf %add3A_187, %mul3A_188 : vector<16x2048xf32>
      %tanh3A = math.tanh %mul3A_189 : vector<16x2048xf32>
      %slice3A = vector.extract_strided_slice %tanh3A {offsets = [0, 0], sizes = [16, 512], strides = [1, 1]} : vector<16x2048xf32> to vector<16x512xf32>
      %mul3A_190 = arith.constant 5.000000e-01 : f32
      %mul3A_191 = vector.broadcast %mul3A_190 : f32 to vector<16x512xf32>
      %mul3A_192 = arith.mulf %mul3A_191, %slice3A : vector<16x512xf32>
      %add3A_193 = arith.constant 5.000000e-01 : f32
      %add3A_194 = vector.broadcast %add3A_193 : f32 to vector<16x512xf32>
      %add3A_195 = arith.addf %add3A_194, %mul3A_192 : vector<16x512xf32>
      %slice3A_196 = vector.extract_strided_slice %tanh3A {offsets = [0, 512], sizes = [16, 512], strides = [1, 1]} : vector<16x2048xf32> to vector<16x512xf32>
      %mul3A_197 = arith.constant 5.000000e-01 : f32
      %mul3A_198 = vector.broadcast %mul3A_197 : f32 to vector<16x512xf32>
      %mul3A_199 = arith.mulf %mul3A_198, %slice3A_196 : vector<16x512xf32>
      %add3A_200 = arith.constant 5.000000e-01 : f32
      %add3A_201 = vector.broadcast %add3A_200 : f32 to vector<16x512xf32>
      %add3A_202 = arith.addf %add3A_201, %mul3A_199 : vector<16x512xf32>
      %slice3A_203 = vector.extract_strided_slice %tanh3A {offsets = [0, 1024], sizes = [16, 512], strides = [1, 1]} : vector<16x2048xf32> to vector<16x512xf32>
      %slice3A_204 = vector.extract_strided_slice %tanh3A {offsets = [0, 1536], sizes = [16, 512], strides = [1, 1]} : vector<16x2048xf32> to vector<16x512xf32>
      %mul3A_205 = arith.constant 5.000000e-01 : f32
      %mul3A_206 = vector.broadcast %mul3A_205 : f32 to vector<16x512xf32>
      %mul3A_207 = arith.mulf %mul3A_206, %slice3A_204 : vector<16x512xf32>
      %add3A_208 = arith.constant 5.000000e-01 : f32
      %add3A_209 = vector.broadcast %add3A_208 : f32 to vector<16x512xf32>
      %add3A_210 = arith.addf %add3A_209, %mul3A_207 : vector<16x512xf32>
      %mul3A_211 = arith.mulf %add3A_202, %scan3A_178 : vector<16x512xf32>
      %mul3A_212 = arith.mulf %add3A_195, %slice3A_203 : vector<16x512xf32>
      %add3A_213 = arith.addf %mul3A_211, %mul3A_212 : vector<16x512xf32>
      %tanh3A_214 = math.tanh %add3A_213 : vector<16x512xf32>
      %mul3A_215 = arith.mulf %add3A_210, %tanh3A_214 : vector<16x512xf32>
      %mul3A_216 = arith.constant 16 : i32
      %mul3A_217 = arith.muli %scan3A_176, %mul3A_216 : i32
      %swap3A_218 = arith.index_cast %mul3A_217 : i32 to index
      %swap3A_219 = arith.constant 0 : index
      %swap3A_220 = vector.load %arg17[%swap3A_218, %swap3A_219] : memref<2048x512xf32, #tpu.memory_space<vmem>>, vector<16x512xf32>
      tpu.vector_store %arg17[%swap3A_218, %swap3A_219], %mul3A_215 {strides = array<i32>} : memref<2048x512xf32, #tpu.memory_space<vmem>>, vector<16x512xf32>,
      scf.yield %mul3A_215, %add3A_213 : vector<16x512xf32>, vector<16x512xf32>
    }
    %scan3A_82 = arith.constant 128 : i32
    %swap3A_83 = arith.constant 1 : index
    %swap3A_84 = arith.constant 0 : index
    %swap3A_85 = arith.constant 0 : index
    %swap3A_86 = vector.load %arg15[%swap3A_83, %swap3A_84, %swap3A_85] : memref<3x16x512xf32, #tpu.memory_space<vmem>>, vector<1x16x512xf32>
    %swap3A_87 = vector.shape_cast %swap3A_86 : vector<1x16x512xf32> to vector<16x512xf32>
    %swap3A_88 = vector.shape_cast %scan3A_81#0 : vector<16x512xf32> to vector<1x16x512xf32>
    tpu.vector_store %arg15[%swap3A_83, %swap3A_84, %swap3A_85], %swap3A_88 {strides = array<i32>} : memref<3x16x512xf32, #tpu.memory_space<vmem>>, vector<1x16x512xf32>,
    %swap3A_89 = arith.constant 1 : index
    %swap3A_90 = arith.constant 0 : index
    %swap3A_91 = arith.constant 0 : index
    %swap3A_92 = vector.load %arg16[%swap3A_89, %swap3A_90, %swap3A_91] : memref<3x16x512xf32, #tpu.memory_space<vmem>>, vector<1x16x512xf32>
    %swap3A_93 = vector.shape_cast %swap3A_92 : vector<1x16x512xf32> to vector<16x512xf32>
    %swap3A_94 = vector.shape_cast %scan3A_81#1 : vector<16x512xf32> to vector<1x16x512xf32>
    tpu.vector_store %arg16[%swap3A_89, %swap3A_90, %swap3A_91], %swap3A_94 {strides = array<i32>} : memref<3x16x512xf32, #tpu.memory_space<vmem>>, vector<1x16x512xf32>,
    %get3A_95 = arith.constant 0 : index
    %get3A_96 = arith.constant 0 : index
    %get3A_97 = vector.load %arg17[%get3A_95, %get3A_96] : memref<2048x512xf32, #tpu.memory_space<vmem>>, vector<2048x512xf32>
    %convert_element_type3A_98 = arith.truncf %get3A_97 : vector<2048x512xf32> to vector<2048x512xbf16>
    %get3A_99 = arith.constant 0 : index
    %get3A_100 = arith.constant 0 : index
    %get3A_101 = vector.load %arg9[%get3A_99, %get3A_100] : memref<2048x512xbf16, #tpu.memory_space<vmem>>, vector<2048x512xbf16>
    %dot_general3A_102 = arith.constant dense<0.000000e+00> : vector<2048x2048xf32>
    %dot_general3A_103 = tpu.matmul %convert_element_type3A_98, %get3A_101, %dot_general3A_102 {dimension_numbers = #tpu.dot_dimension_numbers<[1], [1], [0], [0], [0, 0, 1, 0], [], []>, transpose_lhs_hint = false} : vector<2048x512xbf16>, vector<2048x512xbf16>, vector<2048x2048xf32> -> vector<2048x2048xf32>
    %get3A_104 = arith.constant 0 : index
    %get3A_105 = arith.constant 0 : index
    %get3A_106 = vector.load %arg11[%get3A_104, %get3A_105] : memref<1x2048xf32, #tpu.memory_space<vmem>>, vector<1x2048xf32>
    %add3A_107 = vector.broadcast %get3A_106 : vector<1x2048xf32> to vector<2048x2048xf32>
    %add3A_108 = arith.addf %dot_general3A_103, %add3A_107 : vector<2048x2048xf32>
    %swap3A_109 = arith.constant 0 : index
    %swap3A_110 = arith.constant 0 : index
    %swap3A_111 = vector.load %arg18[%swap3A_109, %swap3A_110] : memref<2048x2048xf32, #tpu.memory_space<vmem>>, vector<2048x2048xf32>
    tpu.vector_store %arg18[%swap3A_109, %swap3A_110], %add3A_108 {strides = array<i32>} : memref<2048x2048xf32, #tpu.memory_space<vmem>>, vector<2048x2048xf32>,
    %get3A_112 = arith.constant 0 : index
    %get3A_113 = arith.constant 0 : index
    %get3A_114 = vector.load %arg10[%get3A_112, %get3A_113] : memref<512x2048xbf16, #tpu.memory_space<vmem>>, vector<512x2048xbf16>
    %get3A_115 = arith.constant 2 : index
    %get3A_116 = arith.constant 0 : index
    %get3A_117 = arith.constant 0 : index
    %get3A_118 = vector.load %arg1[%get3A_115, %get3A_116, %get3A_117] : memref<3x16x512xf32, #tpu.memory_space<vmem>>, vector<1x16x512xf32>
    %get3A_119 = vector.shape_cast %get3A_118 : vector<1x16x512xf32> to vector<16x512xf32>
    %get3A_120 = arith.constant 2 : index
    %get3A_121 = arith.constant 0 : index
    %get3A_122 = arith.constant 0 : index
    %get3A_123 = vector.load %arg2[%get3A_120, %get3A_121, %get3A_122] : memref<3x16x512xf32, #tpu.memory_space<vmem>>, vector<1x16x512xf32>
    %get3A_124 = vector.shape_cast %get3A_123 : vector<1x16x512xf32> to vector<16x512xf32>
    %scan3A_125 = arith.constant 0 : i32
    %scan3A_126 = arith.constant 128 : i32
    %scan3A_127 = arith.addi %scan3A_125, %scan3A_126 : i32
    %scan3A_128 = arith.constant 1 : i32
    %scan3A_129:2 = scf.for %scan3A_176 = %scan3A_125 to %scan3A_127 step %scan3A_128 iter_args(%scan3A_177 = %get3A_119, %scan3A_178 = %get3A_124) -> (vector<16x512xf32>, vector<16x512xf32>)  : i32 {
      %mul3A_179 = arith.constant 16 : i32
      %mul3A_180 = arith.muli %scan3A_176, %mul3A_179 : i32
      %get3A_181 = arith.index_cast %mul3A_180 : i32 to index
      %get3A_182 = arith.constant 0 : index
      %get3A_183 = vector.load %arg18[%get3A_181, %get3A_182] : memref<2048x2048xf32, #tpu.memory_space<vmem>>, vector<16x2048xf32>
      %convert_element_type3A_184 = arith.truncf %scan3A_177 : vector<16x512xf32> to vector<16x512xbf16>
      %dot_general3A_185 = arith.constant dense<0.000000e+00> : vector<16x2048xf32>
      %dot_general3A_186 = tpu.matmul %convert_element_type3A_184, %get3A_114, %dot_general3A_185 {dimension_numbers = #tpu.dot_dimension_numbers<[1], [0], [0], [1], [0, 0, 1, 1], [], []>, transpose_lhs_hint = false} : vector<16x512xbf16>, vector<512x2048xbf16>, vector<16x2048xf32> -> vector<16x2048xf32>
      %add3A_187 = arith.addf %get3A_183, %dot_general3A_186 : vector<16x2048xf32>
      %mul3A_188 = vector.broadcast %concatenate3A : vector<1x2048xf32> to vector<16x2048xf32>
      %mul3A_189 = arith.mulf %add3A_187, %mul3A_188 : vector<16x2048xf32>
      %tanh3A = math.tanh %mul3A_189 : vector<16x2048xf32>
      %slice3A = vector.extract_strided_slice %tanh3A {offsets = [0, 0], sizes = [16, 512], strides = [1, 1]} : vector<16x2048xf32> to vector<16x512xf32>
      %mul3A_190 = arith.constant 5.000000e-01 : f32
      %mul3A_191 = vector.broadcast %mul3A_190 : f32 to vector<16x512xf32>
      %mul3A_192 = arith.mulf %mul3A_191, %slice3A : vector<16x512xf32>
      %add3A_193 = arith.constant 5.000000e-01 : f32
      %add3A_194 = vector.broadcast %add3A_193 : f32 to vector<16x512xf32>
      %add3A_195 = arith.addf %add3A_194, %mul3A_192 : vector<16x512xf32>
      %slice3A_196 = vector.extract_strided_slice %tanh3A {offsets = [0, 512], sizes = [16, 512], strides = [1, 1]} : vector<16x2048xf32> to vector<16x512xf32>
      %mul3A_197 = arith.constant 5.000000e-01 : f32
      %mul3A_198 = vector.broadcast %mul3A_197 : f32 to vector<16x512xf32>
      %mul3A_199 = arith.mulf %mul3A_198, %slice3A_196 : vector<16x512xf32>
      %add3A_200 = arith.constant 5.000000e-01 : f32
      %add3A_201 = vector.broadcast %add3A_200 : f32 to vector<16x512xf32>
      %add3A_202 = arith.addf %add3A_201, %mul3A_199 : vector<16x512xf32>
      %slice3A_203 = vector.extract_strided_slice %tanh3A {offsets = [0, 1024], sizes = [16, 512], strides = [1, 1]} : vector<16x2048xf32> to vector<16x512xf32>
      %slice3A_204 = vector.extract_strided_slice %tanh3A {offsets = [0, 1536], sizes = [16, 512], strides = [1, 1]} : vector<16x2048xf32> to vector<16x512xf32>
      %mul3A_205 = arith.constant 5.000000e-01 : f32
      %mul3A_206 = vector.broadcast %mul3A_205 : f32 to vector<16x512xf32>
      %mul3A_207 = arith.mulf %mul3A_206, %slice3A_204 : vector<16x512xf32>
      %add3A_208 = arith.constant 5.000000e-01 : f32
      %add3A_209 = vector.broadcast %add3A_208 : f32 to vector<16x512xf32>
      %add3A_210 = arith.addf %add3A_209, %mul3A_207 : vector<16x512xf32>
      %mul3A_211 = arith.mulf %add3A_202, %scan3A_178 : vector<16x512xf32>
      %mul3A_212 = arith.mulf %add3A_195, %slice3A_203 : vector<16x512xf32>
      %add3A_213 = arith.addf %mul3A_211, %mul3A_212 : vector<16x512xf32>
      %tanh3A_214 = math.tanh %add3A_213 : vector<16x512xf32>
      %mul3A_215 = arith.mulf %add3A_210, %tanh3A_214 : vector<16x512xf32>
      %mul3A_216 = arith.constant 16 : i32
      %mul3A_217 = arith.muli %scan3A_176, %mul3A_216 : i32
      %swap3A_218 = arith.index_cast %mul3A_217 : i32 to index
      %swap3A_219 = arith.constant 0 : index
      %swap3A_220 = vector.load %arg17[%swap3A_218, %swap3A_219] : memref<2048x512xf32, #tpu.memory_space<vmem>>, vector<16x512xf32>
      tpu.vector_store %arg17[%swap3A_218, %swap3A_219], %mul3A_215 {strides = array<i32>} : memref<2048x512xf32, #tpu.memory_space<vmem>>, vector<16x512xf32>,
      scf.yield %mul3A_215, %add3A_213 : vector<16x512xf32>, vector<16x512xf32>
    }
    %scan3A_130 = arith.constant 128 : i32
    %swap3A_131 = arith.constant 2 : index
    %swap3A_132 = arith.constant 0 : index
    %swap3A_133 = arith.constant 0 : index
    %swap3A_134 = vector.load %arg15[%swap3A_131, %swap3A_132, %swap3A_133] : memref<3x16x512xf32, #tpu.memory_space<vmem>>, vector<1x16x512xf32>
    %swap3A_135 = vector.shape_cast %swap3A_134 : vector<1x16x512xf32> to vector<16x512xf32>
    %swap3A_136 = vector.shape_cast %scan3A_129#0 : vector<16x512xf32> to vector<1x16x512xf32>
    tpu.vector_store %arg15[%swap3A_131, %swap3A_132, %swap3A_133], %swap3A_136 {strides = array<i32>} : memref<3x16x512xf32, #tpu.memory_space<vmem>>, vector<1x16x512xf32>,
    %swap3A_137 = arith.constant 2 : index
    %swap3A_138 = arith.constant 0 : index
    %swap3A_139 = arith.constant 0 : index
    %swap3A_140 = vector.load %arg16[%swap3A_137, %swap3A_138, %swap3A_139] : memref<3x16x512xf32, #tpu.memory_space<vmem>>, vector<1x16x512xf32>
    %swap3A_141 = vector.shape_cast %swap3A_140 : vector<1x16x512xf32> to vector<16x512xf32>
    %swap3A_142 = vector.shape_cast %scan3A_129#1 : vector<16x512xf32> to vector<1x16x512xf32>
    tpu.vector_store %arg16[%swap3A_137, %swap3A_138, %swap3A_139], %swap3A_142 {strides = array<i32>} : memref<3x16x512xf32, #tpu.memory_space<vmem>>, vector<1x16x512xf32>,
    %get3A_143 = arith.constant 0 : index
    %get3A_144 = arith.constant 0 : index
    %get3A_145 = vector.load %arg17[%get3A_143, %get3A_144] : memref<2048x512xf32, #tpu.memory_space<vmem>>, vector<2048x512xf32>
    %reduce_sum3A = arith.constant dense<0.000000e+00> : vector<2048xf32>
    %reduce_sum3A_146 = vector.multi_reduction <add>, %get3A_145, %reduce_sum3A [1] : vector<2048x512xf32> to vector<2048xf32>
    %broadcast_in_dim3A_147 = vector.shape_cast %reduce_sum3A_146 : vector<2048xf32> to vector<2048x1xf32>
    %div3A = arith.constant 5.120000e+02 : f32
    %div3A_148 = vector.broadcast %div3A : f32 to vector<2048x1xf32>
    %div3A_149 = arith.divf %broadcast_in_dim3A_147, %div3A_148 : vector<2048x1xf32>
    %sub3A = vector.broadcast %div3A_149 : vector<2048x1xf32> to vector<2048x512xf32>
    %sub3A_150 = arith.subf %get3A_145, %sub3A : vector<2048x512xf32>
    %integer_pow3A = arith.mulf %sub3A_150, %sub3A_150 : vector<2048x512xf32>
    %reduce_sum3A_151 = arith.constant dense<0.000000e+00> : vector<2048xf32>
    %reduce_sum3A_152 = vector.multi_reduction <add>, %integer_pow3A, %reduce_sum3A_151 [1] : vector<2048x512xf32> to vector<2048xf32>
    %broadcast_in_dim3A_153 = vector.shape_cast %reduce_sum3A_152 : vector<2048xf32> to vector<2048x1xf32>
    %div3A_154 = arith.constant 5.120000e+02 : f32
    %div3A_155 = vector.broadcast %div3A_154 : f32 to vector<2048x1xf32>
    %div3A_156 = arith.divf %broadcast_in_dim3A_153, %div3A_155 : vector<2048x1xf32>
    %sub3A_157 = vector.broadcast %div3A_149 : vector<2048x1xf32> to vector<2048x512xf32>
    %sub3A_158 = arith.subf %get3A_145, %sub3A_157 : vector<2048x512xf32>
    %add3A_159 = arith.constant 9.99999974E-6 : f32
    %add3A_160 = vector.broadcast %add3A_159 : f32 to vector<2048x1xf32>
    %add3A_161 = arith.addf %div3A_156, %add3A_160 : vector<2048x1xf32>
    %rsqrt3A = math.rsqrt %add3A_161 : vector<2048x1xf32>
    %mul3A = vector.broadcast %rsqrt3A : vector<2048x1xf32> to vector<2048x512xf32>
    %mul3A_162 = arith.mulf %sub3A_158, %mul3A : vector<2048x512xf32>
    %get3A_163 = arith.constant 0 : index
    %get3A_164 = arith.constant 0 : index
    %get3A_165 = vector.load %arg12[%get3A_163, %get3A_164] : memref<1x512xf32, #tpu.memory_space<vmem>>, vector<1x512xf32>
    %mul3A_166 = vector.broadcast %get3A_165 : vector<1x512xf32> to vector<2048x512xf32>
    %mul3A_167 = arith.mulf %mul3A_162, %mul3A_166 : vector<2048x512xf32>
    %get3A_168 = arith.constant 0 : index
    %get3A_169 = arith.constant 0 : index
    %get3A_170 = vector.load %arg13[%get3A_168, %get3A_169] : memref<1x512xf32, #tpu.memory_space<vmem>>, vector<1x512xf32>
    %add3A_171 = vector.broadcast %get3A_170 : vector<1x512xf32> to vector<2048x512xf32>
    %add3A_172 = arith.addf %mul3A_167, %add3A_171 : vector<2048x512xf32>
    %swap3A_173 = arith.constant 0 : index
    %swap3A_174 = arith.constant 0 : index
    %swap3A_175 = vector.load %arg14[%swap3A_173, %swap3A_174] : memref<2048x512xf32, #tpu.memory_space<vmem>>, vector<2048x512xf32>
    tpu.vector_store %arg14[%swap3A_173, %swap3A_174], %add3A_172 {strides = array<i32>} : memref<2048x512xf32, #tpu.memory_space<vmem>>, vector<2048x512xf32>,
    return
  }
}

module attributes {stable_mosaic.version = 14 : i64} {
  func.func @_fc_body(%arg0: i32, %arg1: memref<2048x512xf32, #tpu.memory_space<vmem>>, %arg2: memref<1280x512xf32, #tpu.memory_space<vmem>>, %arg3: memref<1x1280xf32, #tpu.memory_space<vmem>>, %arg4: memref<2048x1280xf32, #tpu.memory_space<vmem>>) attributes {dimension_semantics = [#tpu.dimension_semantics<arbitrary>], iteration_bounds = array<i64: 25>, scalar_prefetch = 0 : i64, scratch_operands = 0 : i64, tpu.core_type = #tpu.core_type<tc>, window_params = [{pipeline_mode = #tpu.pipeline_mode<synchronous>, transform_indices = @transform_0, window_bounds = array<i64: 2048, 512>}, {transform_indices = @transform_1, window_bounds = array<i64: 1280, 512>}, {transform_indices = @transform_2, window_bounds = array<i64: 1, 1280>}, {transform_indices = @transform_3, window_bounds = array<i64: 2048, 1280>}]} {
    %get3A = arith.constant 0 : index
    %get3A_0 = arith.constant 0 : index
    %get3A_1 = vector.load %arg1[%get3A, %get3A_0] : memref<2048x512xf32, #tpu.memory_space<vmem>>, vector<2048x512xf32>
    %convert_element_type3A = arith.truncf %get3A_1 : vector<2048x512xf32> to vector<2048x512xbf16>
    %get3A_2 = arith.constant 0 : index
    %get3A_3 = arith.constant 0 : index
    %get3A_4 = vector.load %arg2[%get3A_2, %get3A_3] : memref<1280x512xf32, #tpu.memory_space<vmem>>, vector<1280x512xf32>
    %convert_element_type3A_5 = arith.truncf %get3A_4 : vector<1280x512xf32> to vector<1280x512xbf16>
    %dot_general3A = arith.constant dense<0.000000e+00> : vector<2048x1280xf32>
    %dot_general3A_6 = tpu.matmul %convert_element_type3A, %convert_element_type3A_5, %dot_general3A {dimension_numbers = #tpu.dot_dimension_numbers<[1], [1], [0], [0], [0, 0, 1, 0], [], []>, transpose_lhs_hint = false} : vector<2048x512xbf16>, vector<1280x512xbf16>, vector<2048x1280xf32> -> vector<2048x1280xf32>
    %get3A_7 = arith.constant 0 : index
    %get3A_8 = arith.constant 0 : index
    %get3A_9 = vector.load %arg3[%get3A_7, %get3A_8] : memref<1x1280xf32, #tpu.memory_space<vmem>>, vector<1x1280xf32>
    %add3A = vector.broadcast %get3A_9 : vector<1x1280xf32> to vector<2048x1280xf32>
    %add3A_10 = arith.addf %dot_general3A_6, %add3A : vector<2048x1280xf32>
    %swap3A = arith.constant 0 : index
    %swap3A_11 = arith.constant 0 : index
    %swap3A_12 = vector.load %arg4[%swap3A, %swap3A_11] : memref<2048x1280xf32, #tpu.memory_space<vmem>>, vector<2048x1280xf32>
    tpu.vector_store %arg4[%swap3A, %swap3A_11], %add3A_10 {strides = array<i32>} : memref<2048x1280xf32, #tpu.memory_space<vmem>>, vector<2048x1280xf32>,
    return
  }
  func.func @transform_0(%arg0: i32) -> (i32, i32) {
    %c0_i32 = arith.constant 0 : i32
    %c0_i32_0 = arith.constant 0 : i32
    %c0_i32_1 = arith.constant 0 : i32
    return %c0_i32, %c0_i32_0 : i32, i32
  }
  func.func @transform_1(%arg0: i32) -> (i32, i32) {
    %c0_i32 = arith.constant 0 : i32
    %c0_i32_0 = arith.constant 0 : i32
    return %arg0, %c0_i32 : i32, i32
  }
  func.func @transform_2(%arg0: i32) -> (i32, i32) {
    %c0_i32 = arith.constant 0 : i32
    %c0_i32_0 = arith.constant 0 : i32
    return %c0_i32, %arg0 : i32, i32
  }
  func.func @transform_3(%arg0: i32) -> (i32, i32) {
    %c0_i32 = arith.constant 0 : i32
    %c0_i32_0 = arith.constant 0 : i32
    return %c0_i32, %arg0 : i32, i32
  }
}

</mosaic_0001>

<sc_bundles>
// kernel: kernel.5.cloned.1.call-start
scs
__scs_entry_jumppad:
0x0: {  	(pc) =	sbr.rel $0x88, $3  }
0x1: {  	(tag) =	ssettag $0x0;
	lr =	simm.s32 $0x1  }
0x2: {  	[smem:$0x3F8D] =	sst lr;
	_ =	strace $0xD0000000  }
0x3: {  	_ = 	snop  }
0x4: {  	_ = 	snop  }
0x5: {  	_ = 	snop  }
0x6: {  	_ = 	snop  }
0x7: {  	_ = 	snop  }
__scs_overlays_trampoline_lowered:
0x8: {  	[smem:$0x3F9C] =	sst s0  }
0x9: {  	[smem:$0x3F9D] =	sst s1  }
0xa: {  	[smem:$0x3F9E] =	sst s2  }
0xb: {  	[smem:$0x3F9F] =	sst s3  }
0xc: {  	[smem:$0x3FA0] =	sst s4  }
0xd: {  	[smem:$0x3FA1] =	sst s5  }
0xe: {  	[smem:$0x3FA2] =	sst s6  }
0xf: {  	[smem:$0x3FA3] =	sst s7  }
0x10: {  	[smem:$0x3FA4] =	sst s8  }
0x11: {  	[smem:$0x3FA5] =	sst s9;
	s0 =	simm.s32 @!p0 $0x0  }
0x12: {  	s1 =	sld [smem:$0x3F8B];
	s0 =	simm.s32 @p0 $0x1  }
0x13: {  	[smem:$0x3FA6] =	sst s0;
	s0 =	simm.s32 @!p1 $0x0  }
0x14: {  	s2 =	sld [smem:$0x3F8A];
	s0 =	simm.s32 @p1 $0x1  }
0x15: {  	[smem:$0x3FA7] =	sst s0;
	s0 =	simm.s32 @!p2 $0x0  }
0x16: {  	s3 =	sld [smem:$0x3FDB];
	s0 =	simm.s32 @p2 $0x1  }
0x17: {  	s4 =	simm.s32 $0x1BF5;
	[smem:$0x3FA9] =	sst s0  }
0x18: {  	s0 =	sld [smem:$0x3F8C];
	_ =	swait.ge [sflag:s4], $0x0  }
0x19: {  	s7 =	sld [smem:$0x3F8D]  }
0x1a: {  	s8 =	sadd.s32 $0xFFFFE003, lr  }
0x1b: {  	s9 =	sadd.s32 $0xFFFFFEF7, lr;
	s5 =	simm.s32 $0xFFFFFFFF;
	p2 =	slt.u32 s8, $0xFFFFF086  }
0x1c: {  	p1 =	slt.u32 s9, $0xF7A;
	s5 =	simm.s32 @!p2 $0x0  }
0x1d: {  	s5 =	simm.s32 @p1 $0x1;
	p0 =	seq.s32 s7, s2  }
0x1e: {  	s7 =	smul.u32 @!p0 $0xF7A, s2;
	p2 =	seq.s32 @!p0 s5, $0x0  }
0x1f: {  	s9 =	smul.u32 $0xF7A, s1;
	s8 =	simm.s32 @!p0 $0x1BF5;
	p2 =	por !p2, p0  }
0x20: {  	[sflag:s8] =	ssyncset.s32 @!p0 $0xFFFFF086;
	s6 =	sadd.s32 @!p0 s3, s7;
	s7 =	simm.s32 @!p0 $0x108  }
0x21: {  	s3 =	sadd.s32 s3, s9;
	s6 =	sadd.s32 @!p0 $0x88, s6;
	s7 =	simm.s32 @p2 $0x1082  }
0x22: {  	[simem:s7], [sflag:s8] =	dma.local @!p0 [hbm:s6], $0xF7A  }
0x23: {  	s9 =	sor.u32 $0xD0000000, s2;
	s6 =	simm.s32 $0x108;
	_ =	swait.ge @!p0 [sflag:s8], $0x0  }
0x24: {  	s3 =	sadd.s32 $0x88, s3;
	s6 =	simm.s32 @!p1 $0x1082;
	[sflag:s4] =	ssyncset.s32 $0xFFFFF086  }
0x25: {  	[simem:s6], [sflag:s4] =	dma.local [hbm:s3], $0xF7A  }
0x26: {  	[smem:$0x3F8D] =	sst s1;
	(tag) =	ssettag s2;
	_ =	strace s9  }
0x27: {  	s1 =	sld [smem:$0x3F9D]  }
0x28: {  	s2 =	sld [smem:$0x3F9E]  }
0x29: {  	s4 =	sld [smem:$0x3FA0]  }
0x2a: {  	p0 =	seq.s32 s5, $0x0;
	s5 =	sld [smem:$0x3FA1]  }
0x2b: {  	s6 =	sld [smem:$0x3FA2]  }
0x2c: {  	s7 =	sld [smem:$0x3FA3]  }
0x2d: {  	s3 =	simm.s32 $0x108;
	s8 =	sld [smem:$0x3FA4]  }
0x2e: {  	s3 =	simm.s32 @!p0 $0x1082;
	s9 =	sld [smem:$0x3FA5]  }
0x2f: {  	lr =	sadd.s32 s0, s3;
	s0 =	sld [smem:$0x3F9C]  }
0x30: {  	s3 =	sld [smem:$0x3F9F]  }
0x31: {  	[smem:$0x3FA8] =	sst s10  }
0x32: {  	s10 =	sld [smem:$0x3FA6];
	_ =	sdelay $0x3  }
0x33: {  	p0 =	seq.s32 s10, $0x1;
	s10 =	sld [smem:$0x3FA8];
	_ =	sdelay $0x3  }
0x34: {  	[smem:$0x3FA8] =	sst s10  }
0x35: {  	s10 =	sld [smem:$0x3FA7];
	_ =	sdelay $0x3  }
0x36: {  	p1 =	seq.s32 s10, $0x1;
	s10 =	sld [smem:$0x3FA8];
	_ =	sdelay $0x3  }
0x37: {  	[smem:$0x3FA8] =	sst s10  }
0x38: {  	s10 =	sld [smem:$0x3FA9]  }
0x39: {  	_ = 	snop;
	(pc) =	sbr.ind lr, $3  }
0x3a: {  	_ = 	snop  }
0x3b: {  	_ = 	snop  }
0x3c: {  	p2 =	seq.s32 s10, $0x1;
	s10 =	sld [smem:$0x3FA8]  }
0x3d: {  	_ =	shalt  }
0x3e: {  	_ =	shalt  }
0x3f: {  	_ =	shalt  }
0x40: {  	_ =	shalt  }
0x41: {  	_ =	shalt  }
0x42: {  	_ =	shalt  }
0x43: {  	_ =	shalt  }
0x44: {  	_ =	shalt  }
0x45: {  	_ =	shalt  }
0x46: {  	_ =	shalt  }
0x47: {  	_ =	shalt  }
0x48: {  	_ =	shalt  }
0x49: {  	_ =	shalt  }
0x4a: {  	_ =	shalt  }
0x4b: {  	_ =	shalt  }
0x4c: {  	_ =	shalt  }
0x4d: {  	_ =	shalt  }
0x4e: {  	_ =	shalt  }
0x4f: {  	_ =	shalt  }
0x50: {  	_ =	shalt  }
0x51: {  	_ =	shalt  }
0x52: {  	_ =	shalt  }
0x53: {  	_ =	shalt  }
0x54: {  	_ =	shalt  }
0x55: {  	_ =	shalt  }
0x56: {  	_ =	shalt  }
0x57: {  	_ =	shalt  }
0x58: {  	_ =	shalt  }
0x59: {  	_ =	shalt  }
0x5a: {  	_ =	shalt  }
0x5b: {  	_ =	shalt  }
0x5c: {  	_ =	shalt  }
0x5d: {  	_ =	shalt  }
0x5e: {  	_ =	shalt  }
0x5f: {  	_ =	shalt  }
0x60: {  	_ =	shalt  }
0x61: {  	_ =	shalt  }
0x62: {  	_ =	shalt  }
0x63: {  	_ =	shalt  }
0x64: {  	_ =	shalt  }
0x65: {  	_ =	shalt  }
0x66: {  	_ =	shalt  }
0x67: {  	_ =	shalt  }
0x68: {  	_ =	shalt  }
0x69: {  	_ =	shalt  }
0x6a: {  	_ =	shalt  }
0x6b: {  	_ =	shalt  }
0x6c: {  	_ =	shalt  }
0x6d: {  	_ =	shalt  }
0x6e: {  	_ =	shalt  }
0x6f: {  	_ =	shalt  }
0x70: {  	_ =	shalt  }
0x71: {  	_ =	shalt  }
0x72: {  	_ =	shalt  }
0x73: {  	_ =	shalt  }
0x74: {  	_ =	shalt  }
0x75: {  	_ =	shalt  }
0x76: {  	_ =	shalt  }
0x77: {  	_ =	shalt  }
0x78: {  	_ =	shalt  }
0x79: {  	_ =	shalt  }
0x7a: {  	_ =	shalt  }
0x7b: {  	_ =	shalt  }
0x7c: {  	_ =	shalt  }
0x7d: {  	_ =	shalt  }
0x7e: {  	_ =	shalt  }
0x7f: {  	_ =	shalt  }
0x80: {  	_ =	shalt  }
0x81: {  	_ =	shalt  }
0x82: {  	_ =	shalt  }
0x83: {  	_ =	shalt  }
0x84: {  	_ =	shalt  }
0x85: {  	_ =	shalt  }
0x86: {  	_ =	shalt  }
0x87: {  	_ =	shalt  }
.Lfunc_end0:
.L_simem_size_0:
called_computation_lowered:
.L_overlay_start_0:
0x88: {  	s2 =	sld [smem:$0x3FD9]  }
0x89: {  	s3 =	sld [smem:$0x3FFE];
	_ =	sdelay $0x1  }
0x8a: {  	s1 =	srdreg.scid  }
0x8b: {  	s0 =	sand.u32 $0x1, s1  }
0x8c: {  	s15 =	sshll.u32 s0, $0xA;
	s2 =	sadd.s32 s3, s2  }
0x8d: {  	s2 =	sadd.s32 s2, s15  }
0x8e: {  	[smem:$0x3FB4] =	sst s2  }
0x8f: {  	_ = 	snop  }
0x90: {  	s2 =	sld [smem:$0x3FD0];
	_ =	sdelay $0x2  }
0x91: {  	s4 =	simm.s32 $0xA;
	s5 =	simm.s32 $0x10;
	s16 =	sld [smem:$0x3FC6]  }
0x92: {  	[smem:s5], [sflag:s4] =	dma.local [hbm:s2], $0x1  }
0x93: {  	_ =	swait.eq [sflag:s4], $0x1  }
0x94: {  	[sflag:s4] =	ssyncset.done $0x0  }
0x95: {  	s17 =	sld [smem:$0x10];
	[sflag:s4] =	ssyncadd.s32 $0xFFFFFFFF  }
0x96: {  	s18 =	sld [smem:$0x12];
	(tm) =	ssettm $0x1  }
0x97: {  	s19 =	sld [smem:$0x3FFB];
	_ =	sdelay $0x3  }
0x98: {  	_ =	strace s19  }
0x99: {  	s5 =	sld [smem:$0x3FFC];
	_ =	sdelay $0x3  }
0x9a: {  	_ =	strace s5  }
0x9b: {  	s5 =	sld [smem:$0x3FFD];
	_ =	sdelay $0x3  }
0x9c: {  	_ =	strace s5  }
0x9d: {  	_ =	strace $0x8FFFFFFF  }
0x9e: {  	s20 =	sld [smem:$0x3FDB];
	_ =	sdelay $0x1  }
0x9f: {  	s6 =	simm.s32 $_scs_section_size  }
0xa0: {  	s7 =	simm.s32 $_size__tile_overlayer_lowered;
	s8 =	simm.s32 $_tile_overlayer_lowered  }
0xa1: {  	s23 =	simm.s32 $0x1BFF;
	s22 =	sshll.u32 s8, $0x1;
	s5 =	sadd.s32 s6, s20  }
0xa2: {  	s9 =	simm.s32 $0x0;
	s21 =	sshll.u32 s7, $0x1;
	s7 =	sadd.s32 s22, s5  }
0xa3: {  	[timem:s9], [sflag:s23] =	dma.local [hbm:s7], s21  }
0xa4: {  	_ =	swait.ge [sflag:s23], s21  }
0xa5: {  	s6 =	ssub.s32 $0x0, s21;
	[sflag:s23] =	ssyncset.done $0x0  }
0xa6: {  	[sflag:s23] =	ssyncadd.s32 s6;
	_ =	sdelay $0x1  }
0xa7: {  	s24 =	simm.s32 $0x1B8B  }
0xa8: {  	_ =	swait.ge [sflag:s24], $0x1  }
0xa9: {  	[sflag:s24] =	ssyncset.done $0x0  }
0xaa: {  	s25 =	simm.s32 $0x1B8E;
	[sflag:s24] =	ssyncadd.s32 $0xFFFFFFFF  }
0xab: {  	s26 =	simm.s32 $execute0_lowered;
	[smem:$0x3FD2] =	sst s25  }
0xac: {  	s6 =	sshll.u32 s26, $0x1;
	_ =	strace $0x80000046;
	[dreg:$0x1] =	wrdreg $0xFFFFFFFF  }
0xad: {  	s28 =	simm.s32 $_size_execute0_lowered;
	s5 =	sadd.s32 s5, s6;
	[dreg:$0x0] =	wrdreg $0x0  }
0xae: {  	s6 =	sshll.u32 s28, $0x1;
	[dreg:$0x2] =	wrdreg s5  }
0xaf: {  	[dreg:$0x3] =	wrdreg s6  }
0xb0: {  	[dreg:$0x4] =	wrdreg $0xC0  }
0xb1: {  	_ =	task [dreg:s9], $0x5FFFF  }
0xb2: {  	[dreg:$0x1] =	wrdreg $0xFFFFFFFF  }
0xb3: {  	[dreg:$0x0] =	wrdreg $0x60  }
0xb4: {  	[dreg:$0x2] =	wrdreg s16  }
0xb5: {  	[dreg:$0x3] =	wrdreg s18  }
0xb6: {  	[dreg:$0x4] =	wrdreg s17  }
0xb7: {  	[dreg:$0x5] =	wrdreg $0x9  }
0xb8: {  	_ =	task.clear_ibuf [dreg:s9], $0x6FFFF;
	_ =	strace $0x90000046  }
0xb9: {  	s29 =	simm.s32 $0x9;
	_ =	strace $0x80000048  }
0xba: {  	_ =	swait.ge [sflag:s29], $0x1  }
0xbb: {  	[sflag:s29] =	ssyncadd.s32 $0xFFFFFFFF  }
0xbc: {  	_ =	strace $0x90000048  }
0xbd: {  	_ =	sfence  }
0xbe: {  	s30 =	sld [smem:$0x0];
	_ =	sdelay $0x2  }
0xbf: {  	s31 =	sshll.u32 s1, $0xD;
	s1 =	sshrl.u32 s1, $0x2  }
0xc0: {  	s3 =	sand.u32 $0x4000, s31;
	s1 =	sadd.s32 s1, s30  }
0xc1: {  	s0 =	sor.u32 s3, s0;
	s1 =	sshll.u32 s1, $0x11  }
0xc2: {  	s0 =	sor.u32 s1, s0  }
0xc3: {  	s0 =	sadd.s32 $0x8F2B, s0  }
0xc4: {  	[sflag:s0] =	ssyncadd.remote.s32 $0x1  }
0xc5: {  	_ =	sfence.sel $0xFFFF  }
0xc6: {  	[dreg:$0x0] =	wrdreg $0xFFFFFFFF;
	(pc) =	sbr.abs _section_cstart, $3  }
0xc7: {  	[dreg:$0x1] =	wrdreg $0xFFFFFFFF  }
0xc8: {  	_ =	task.clear_ibuf [dreg:s9], $0x2FFFF;
	_ =	strace $0x9FFFFFFF  }
0xc9: {  	(tm) =	ssettm $0x7FFFFFFF  }
tec
execute0_lowered:
.L_overlay_start_1:
0x0: {  	(tag) =	ssettag $0x1  }
0x1: {  	s2 =	rddreg [dreg:$0x0]  }
0x2: {  	s4 =	rddreg [dreg:$0x1];
	s0 =	srdreg.scid  }
0x3: {  	s6 =	rddreg [dreg:$0x2];
	s1 =	stileid.u32;
	s3 =	simm.s32 $0x0  }
0x4: {  	s10 =	simm.s32 $0x880;
	s11 =	simm.s32 $0xC80;
	s12 =	simm.s32 $0x1480  }
0x5: {  	s13 =	simm.s32 $0x1880;
	s14 =	simm.s32 $0x2080;
	s15 =	simm.s32 $0x2480  }
0x6: {  	s16 =	simm.s32 $0x2C80;
	s17 =	simm.s32 $0x3080;
	s18 =	simm.s32 $0x3880  }
0x7: {  	s19 =	simm.s32 $0x3C80;
	s20 =	simm.s32 $0x4480;
	s21 =	simm.s32 $0x4880  }
0x8: {  	s22 =	simm.s32 $0x5080;
	s23 =	simm.s32 $0x5480;
	s24 =	simm.s32 $0x5C80  }
0x9: {  	s25 =	simm.s32 $0x1;
	s5 =	sand.u32 $0x1, s0;
	s0 =	rddreg [dreg:$0x3]  }
0xa: {  	s7 =	sshll.u32 s1, $0x4;
	s8 =	sshll.u32 s5, $0x3;
	s5 =	ssub.s32 $0x2, s5  }
0xb: {  	[smem:$0x7FF] =	sst s3;
	s7 =	sor.u32 s8, s7;
	s31 =	sshrl.u32 s5, $0x1  }
0xc: {  	v2 =	vlaneseq.u32;
	_ =	strace $0x80000047;
	s9 =	smul.u32 $0x180, s7;
	s8 =	ssub.s32 s5, s31  }
0xd: {  	vm0 =	vmmov $0xffff;
	vm1 =	vmmov $0xff;
	v1 =	vshrl.u32 v2, $0x3;
	s4 =	sadd.s32 s4, s7;
	s5 =	sadd.s32 $0x100, s2;
	s7 =	smax.u32 s8, $0x1  }
0xe: {  	v0 =	vand.u32 $0x7, v2;
	v2 =	vor.u32 $0x8, v2;
	v1 =	vmul.u32 $0x8, v1;
	s8 =	simm.s32 $0x2;
	s6 =	sadd.s32 s6, s9;
	s9 =	simm.s32 $0x80  }
.LBB2_1:
0xf: {  	[tilespmem:s3], [sflag:$0x2] =	stream.linear.gather [hbm4b:s4+s3], $0x40, $0x38;
	[tilespmem:$0x6080] =	vst v63  }
0x10: {  	_ =	swait.ge [sflag:s8], $0x40  }
0x11: {  	[sflag:s8] =	ssyncset.done $0x0  }
0x12: {  	[sflag:s8] =	ssyncadd.s32 $0xFFFFFFC0  }
0x13: {  	v3 =	vld [tilespmem:$0x0];
	_ =	sdelay $0x4  }
0x14: {  	v4 =	vshrl.u32 v3, $0x3  }
0x15: {  	v4 =	vmul.u32 $0x18, v4  }
0x16: {  	v3 =	vand.u32 $0x7, v3  }
0x17: {  	v3 =	vor.u32 v3, v4  }
0x18: {  	v4 =	vperm.xlane v3, v0;
	_ =	sdelay $0x1  }
0x19: {  	v4 =	vadd.s32 v1, v4;
	_ =	sdelay $0x1  }
0x1a: {  	v3 =	vperm.xlane v3, v2;
	_ =	sdelay $0x1  }
0x1b: {  	v3 =	vadd.s32 v1, v3  }
0x1c: {  	[tilespmem:s9], [sflag:$0x1] =	stream.indirect_vreg.gather [hbm4b:s2+s3], $0x80, v4, vm0, $0xb8;
	[tilespmem:$0x6080] =	vst v63  }
0x1d: {  	_ = 	snop  }
0x1e: {  	[tilespmem:s10], [sflag:$0x1] =	stream.indirect_vreg.gather [hbm4b:s5+s3], $0x80, v4, vm1, $0xb8;
	[tilespmem:$0x6080] =	vst v63  }
0x1f: {  	_ = 	snop  }
0x20: {  	[tilespmem:s11], [sflag:$0x1] =	stream.indirect_vreg.gather [hbm4b:s2+s3], $0x80, v3, vm0, $0xb8;
	[tilespmem:$0x6080] =	vst v63  }
0x21: {  	_ = 	snop  }
0x22: {  	[tilespmem:s12], [sflag:$0x1] =	stream.indirect_vreg.gather [hbm4b:s5+s3], $0x80, v3, vm1, $0xb8;
	[tilespmem:$0x6080] =	vst v63  }
0x23: {  	v3 =	vld [tilespmem:$0x10];
	_ =	sdelay $0x4  }
0x24: {  	v61 =	vshrl.u32 v3, $0x3  }
0x25: {  	v4 =	vmul.u32 $0x18, v61  }
0x26: {  	v3 =	vand.u32 $0x7, v3  }
0x27: {  	v3 =	vor.u32 v3, v4  }
0x28: {  	v4 =	vperm.xlane v3, v0;
	_ =	sdelay $0x1  }
0x29: {  	v4 =	vadd.s32 v1, v4;
	_ =	sdelay $0x1  }
0x2a: {  	v3 =	vperm.xlane v3, v2;
	_ =	sdelay $0x1  }
0x2b: {  	v3 =	vadd.s32 v1, v3  }
0x2c: {  	[tilespmem:s13], [sflag:$0x1] =	stream.indirect_vreg.gather [hbm4b:s2+s3], $0x80, v4, vm0, $0xb8;
	[tilespmem:$0x6080] =	vst v63  }
0x2d: {  	_ = 	snop  }
0x2e: {  	[tilespmem:s14], [sflag:$0x1] =	stream.indirect_vreg.gather [hbm4b:s5+s3], $0x80, v4, vm1, $0xb8;
	[tilespmem:$0x6080] =	vst v63  }
0x2f: {  	_ = 	snop  }
0x30: {  	[tilespmem:s15], [sflag:$0x1] =	stream.indirect_vreg.gather [hbm4b:s2+s3], $0x80, v3, vm0, $0xb8;
	[tilespmem:$0x6080] =	vst v63  }
0x31: {  	_ = 	snop  }
0x32: {  	[tilespmem:s16], [sflag:$0x1] =	stream.indirect_vreg.gather [hbm4b:s5+s3], $0x80, v3, vm1, $0xb8;
	[tilespmem:$0x6080] =	vst v63  }
0x33: {  	v3 =	vld [tilespmem:$0x20];
	_ =	sdelay $0x4  }
0x34: {  	v62 =	vshrl.u32 v3, $0x3  }
0x35: {  	v4 =	vmul.u32 $0x18, v62  }
0x36: {  	v3 =	vand.u32 $0x7, v3  }
0x37: {  	v3 =	vor.u32 v3, v4  }
0x38: {  	v4 =	vperm.xlane v3, v0;
	_ =	sdelay $0x1  }
0x39: {  	v4 =	vadd.s32 v1, v4;
	_ =	sdelay $0x1  }
0x3a: {  	v3 =	vperm.xlane v3, v2;
	_ =	sdelay $0x1  }
0x3b: {  	v3 =	vadd.s32 v1, v3  }
0x3c: {  	[tilespmem:s17], [sflag:$0x1] =	stream.indirect_vreg.gather [hbm4b:s2+s3], $0x80, v4, vm0, $0xb8;
	[tilespmem:$0x6080] =	vst v63  }
0x3d: {  	_ = 	snop  }
0x3e: {  	[tilespmem:s18], [sflag:$0x1] =	stream.indirect_vreg.gather [hbm4b:s5+s3], $0x80, v4, vm1, $0xb8;
	[tilespmem:$0x6080] =	vst v63  }
0x3f: {  	_ = 	snop  }
0x40: {  	[tilespmem:s19], [sflag:$0x1] =	stream.indirect_vreg.gather [hbm4b:s2+s3], $0x80, v3, vm0, $0xb8;
	[tilespmem:$0x6080] =	vst v63  }
0x41: {  	_ = 	snop  }
0x42: {  	[tilespmem:s20], [sflag:$0x1] =	stream.indirect_vreg.gather [hbm4b:s5+s3], $0x80, v3, vm1, $0xb8;
	[tilespmem:$0x6080] =	vst v63  }
0x43: {  	v3 =	vld [tilespmem:$0x30];
	_ =	sdelay $0x4  }
0x44: {  	v63 =	vshrl.u32 v3, $0x3  }
0x45: {  	v4 =	vmul.u32 $0x18, v63  }
0x46: {  	v3 =	vand.u32 $0x7, v3  }
0x47: {  	v3 =	vor.u32 v3, v4  }
0x48: {  	v4 =	vperm.xlane v3, v0;
	_ =	sdelay $0x1  }
0x49: {  	v4 =	vadd.s32 v1, v4;
	_ =	sdelay $0x1  }
0x4a: {  	v3 =	vperm.xlane v3, v2;
	_ =	sdelay $0x1  }
0x4b: {  	v3 =	vadd.s32 v1, v3  }
0x4c: {  	[tilespmem:s21], [sflag:$0x1] =	stream.indirect_vreg.gather [hbm4b:s2+s3], $0x80, v4, vm0, $0xb8;
	[tilespmem:$0x6080] =	vst v63  }
0x4d: {  	_ = 	snop  }
0x4e: {  	[tilespmem:s22], [sflag:$0x1] =	stream.indirect_vreg.gather [hbm4b:s5+s3], $0x80, v4, vm1, $0xb8;
	[tilespmem:$0x6080] =	vst v63  }
0x4f: {  	_ = 	snop  }
0x50: {  	[tilespmem:s23], [sflag:$0x1] =	stream.indirect_vreg.gather [hbm4b:s2+s3], $0x80, v3, vm0, $0xb8;
	[tilespmem:$0x6080] =	vst v63  }
0x51: {  	_ = 	snop  }
0x52: {  	[tilespmem:s24], [sflag:$0x1] =	stream.indirect_vreg.gather [hbm4b:s5+s3], $0x80, v3, vm1, $0xb8;
	[tilespmem:$0x6080] =	vst v63  }
0x53: {  	_ =	swait.ge [sflag:s25], $0x6000  }
0x54: {  	p0 =	sne.s32 s7, $0x1;
	[sflag:s25] =	ssyncset.done $0x0  }
.Ltmp0:
0x55: {  	[sflag:s25] =	ssyncadd.s32 $0xFFFFA000;
	(pc) =	sbr.rel @p0 .LBB2_1-.Ltmp0, $4  }
0x56: {  	[hbm4b:s6+s3] =	stream.linear.scatter [tilespmem:s9], [sflag:$0x2], $0x6000, $0x38;
	[tilespmem:$0x6080] =	vst v63  }
0x57: {  	_ =	swait.ge [sflag:s8], $0x6000  }
0x58: {  	[sflag:s8] =	ssyncset.done $0x0  }
0x59: {  	s7 =	sadd.s32 $0xFFFFFFFF, s7;
	[sflag:s8] =	ssyncadd.s32 $0xFFFFA000  }
0x5a: {  	_ =	sfence.sel $0x180000  }
0x5b: {  	[bflag:$0x0] =	sbarrier.arrive $0xFFFF  }
0x5c: {  	p0 =	sne.s32 s1, $0x0;
	_ =	strace $0x90000047  }
0x5d: {  	s0 =	sadd.s32 @!p0 $0x100000, s0;
	[bflag:$0x2] =	sbarrier.arrive $0xFFFF  }
0x5e: {  	[sflag:s0] =	ssyncadd.tile.s32 @!p0 $0x1;
	_ =	shalt  }
.Lfunc_end2:
_tile_overlayer_lowered:
.L_overlay_start_2:
0x5f: {  	(tag) =	ssettag $0x2  }
0x60: {  	s0 =	rddreg [dreg:$0x0];
	s2 =	stileid.u32  }
0x61: {  	s1 =	rddreg [dreg:$0x1];
	p0 =	sne.s32 s2, $0x0  }
0x62: {  	s3 =	rddreg [dreg:$0x2];
	[bflag:$0x3] =	sbarrier.arrive $0xFFFF;
	s2 =	simm.s32 @!p0 $0x1C02  }
0x63: {  	[timem:s3], [sflag:s2] =	dma.local @!p0 [hbm:s0], s1  }
0x64: {  	s0 =	simm.s32 @!p0 $0x2  }
0x65: {  	_ =	swait.ge @!p0 [sflag:s0], s1  }
0x66: {  	s1 =	ssub.s32 @!p0 $0x0, s1;
	[sflag:s0] =	ssyncset.done @!p0 $0x0  }
0x67: {  	[sflag:s0] =	ssyncadd.s32 @!p0 s1  }
0x68: {  	[bflag:$0x3] =	sbarrier.arrive $0xFFFF  }
0x69: {  	_ =	shalt  }

</sc_bundles>
